<compile_context>
chip_gen: v7x
topology: tpu7x:2x2x1
jax: 0.10.2.dev20260603
libtpu: 0.0.44.dev20260713+nightly
codegen_flags: <defaults>
</compile_context>

<pallas_src>
import functools

import jax
import jax.numpy as jnp
from jax import lax
from jax.experimental import pallas as pl
from jax.experimental.pallas import tpu as pltpu
from jax.experimental.pallas import tpu_sc as plsc

_K = 1024
_D = 64
_B = 64
_P = 576
_N = _B * _P
_COST = 0.25

_NW = 32
_BPW = _N // _NW
_CH = 128
_NCH = _BPW // _CH


_P2 = 2 * _P


def _dist_body(zt_ref, wm2_ref, wsq_ref, codes_ref, loss_ref):
    ztc = jnp.concatenate([zt_ref[pl.ds(0, _D), :], zt_ref[pl.ds(_D, _D), :]],
                          axis=1)
    t2 = lax.dot_general(wm2_ref[...], ztc,
                         dimension_numbers=(((1,), (0,)), ((), ())),
                         preferred_element_type=jnp.float32)
    zsq = jnp.sum(ztc * ztc, axis=0, keepdims=True)
    dist = (zsq + wsq_ref[...]) + t2
    m = jnp.min(dist, axis=0, keepdims=True)
    ii = lax.broadcasted_iota(jnp.int32, dist.shape, 0).astype(jnp.float32)
    codes_f = jnp.min(jnp.where(dist == m, ii, jnp.float32(_K)), axis=0)
    codes_ref[0, 0, :] = codes_f.astype(jnp.int32)

    @pl.when(pl.program_id(0) == 0)
    def _init():
        loss_ref[...] = jnp.zeros_like(loss_ref)

    loss_ref[...] += jnp.sum(m).reshape(1, 1)


_dist_call = pl.pallas_call(
    _dist_body,
    grid=(_B // 2,),
    in_specs=[
        pl.BlockSpec((2 * _D, _P), lambda i: (i, 0)),
        pl.BlockSpec((_K, _D), lambda i: (0, 0)),
        pl.BlockSpec((_K, 1), lambda i: (0, 0)),
    ],
    out_specs=[
        pl.BlockSpec((1, 1, _P2), lambda i: (i, 0, 0)),
        pl.BlockSpec((1, 1), lambda i: (0, 0)),
    ],
    out_shape=[
        jax.ShapeDtypeStruct((_B // 2, 1, _P2), jnp.int32),
        jax.ShapeDtypeStruct((1, 1), jnp.float32),
    ],
)


def _gather_body(w_hbm, codes_hbm, out_hbm, idx_v, rows_v, sem):
    wid = lax.axis_index("s") * 2 + lax.axis_index("c")
    pltpu.sync_copy(codes_hbm.at[wid], idx_v)
    copies = [
        pltpu.async_copy(w_hbm.at[idx_v.at[j]],
                         rows_v.at[pl.ds(j * _CH, _CH)], sem)
        for j in range(_NCH)
    ]
    for c in copies:
        c.wait()
    pltpu.sync_copy(rows_v, out_hbm.at[pl.ds(wid * _BPW, _BPW)])


def _gather_call(W, codes2d):
    run = functools.partial(
        pl.kernel,
        mesh=plsc.VectorSubcoreMesh(core_axis_name="c", subcore_axis_name="s"),
        out_type=jax.ShapeDtypeStruct((_N, _D), jnp.float32),
        scratch_types=[
            pltpu.VMEM((_NCH, _CH), jnp.int32),
            pltpu.VMEM((_BPW, _D), jnp.float32),
            pltpu.SemaphoreType.DMA,
        ],
        compiler_params=pltpu.CompilerParams(use_tc_tiling_on_sc=False),
    )(_gather_body)
    return run(W, codes2d)


def kernel(z, W):
    zt = jnp.swapaxes(z, 1, 2).reshape(_B * _D, _P)
    wsq = jnp.sum(W ** 2, axis=1, keepdims=True)
    codes3d, loss_acc = _dist_call(zt, W * jnp.float32(-2.0), wsq)
    codes = codes3d.reshape(_N)
    z_q = _gather_call(W, codes.reshape(_NW, _NCH, _CH))
    vq_loss = (loss_acc[0, 0] / jnp.float32(_N * _D)) * jnp.float32(_COST)
    return (vq_loss, z_q.reshape(z.shape), codes3d.reshape(_B, _P))

# --- scband reference (transcript-rebuilt; emitter-appended) ---
"""Pipeline reference for scband-vector-quantizer-14096082665950 (READ-ONLY COPY).

The authoritative reference and input builder live on the scoring server;
editing this copy changes nothing except your own understanding.
"""

import jax, jax.numpy as jnp
import numpy as np

NUM_EMBEDDINGS = 1024
EMBEDDING_DIM = 64
COMMITMENT_COST = 0.25


def setup_inputs(seed: int = 0) -> dict:
    key = jax.random.key(seed)
    k1, k2 = jax.random.split(key)
    z = jax.random.normal(k1, (64, 576, 64), dtype=jnp.float32)
    # xavier_uniform init for embedding weight [K, D]
    limit = float(np.sqrt(6.0 / (NUM_EMBEDDINGS + EMBEDDING_DIM)))
    W = jax.random.uniform(k2, (NUM_EMBEDDINGS, EMBEDDING_DIM), dtype=jnp.float32, minval=-limit, maxval=limit)
    return {"z": z, "W": W}


def reference(z, W):
    # eval-mode forward (EMA buffers untouched; torch `self.training` is False)
    D = W.shape[1]
    z_flat = z.reshape(-1, D)
    # squared L2 distances to every codebook entry
    dist = (jnp.sum(z_flat ** 2, axis=1, keepdims=True)
            + jnp.sum(W ** 2, axis=1)
            - 2.0 * z_flat @ W.T)
    codes = jnp.argmin(dist, axis=1)
    # embedding lookup (gather)
    z_q = jnp.take(W, codes, axis=0).reshape(z.shape)
    # commitment loss: mse(z_q.detach(), z)
    vq_loss = COMMITMENT_COST * jnp.mean((jax.lax.stop_gradient(z_q) - z) ** 2)
    # straight-through estimator
    z_q_st = z + jax.lax.stop_gradient(z_q - z)
    codes_out = codes.reshape(z.shape[0], -1)
    return (vq_loss, z_q_st, codes_out)

if __name__ == "__main__":
    import jax
    _d = setup_inputs()
    print(jax.jit(kernel)(*tuple(_d.values())))

</pallas_src>

<mosaic_0001>
#map = affine_map<(d0, d1) -> (0, 0)>
#map1 = affine_map<(d0, d1) -> (0, 0, 0)>
module attributes {stable_mosaic.version = 14 : i64} {
  func.func @_gather_body(%arg0: i32, %arg1: i32, %arg2: memref<1024x64xf32, #tpu.memory_space<hbm>>, %arg3: memref<32x9x128xi32, #tpu.memory_space<hbm>>, %arg4: memref<36864x64xf32, #tpu.memory_space<hbm>>, %arg5: memref<9x128xi32, #tpu.memory_space<vmem>>, %arg6: memref<1152x64xf32, #tpu.memory_space<vmem>>, %arg7: memref<!tpu.dma_semaphore, #tpu.memory_space<semaphore_mem>>) attributes {dimension_semantics = [#tpu.dimension_semantics<core_parallel>, #tpu.dimension_semantics<subcore_parallel>], iteration_bounds = array<i64: 2, 16>, scalar_prefetch = 0 : i64, scratch_operands = 3 : i64, tpu.core_type = #tpu.core_type<sc_vector_subcore>, window_params = [{transform_indices = #map}, {transform_indices = #map1}, {transform_indices = #map}]} {
    %mul3A = arith.constant 2 : i32
    %mul3A_0 = arith.muli %arg1, %mul3A : i32
    %add3A = arith.addi %mul3A_0, %arg0 : i32
    "tpu.region"() ({
      %run_scoped3A = tpu.sem_alloc : memref<!tpu.dma_semaphore, #tpu.memory_space<semaphore_mem>>
      %dma_start3A_181 = arith.constant 0 : i32
      %dma_start3A_182 = arith.constant 0 : i32
      %dma_start3A_183 = tpu.memref_slice %arg3[%add3A, %dma_start3A_181, %dma_start3A_182] : memref<32x9x128xi32, #tpu.memory_space<hbm>> -> memref<1x9x128xi32, #tpu.memory_space<hbm>>
      %dma_start3A_184 = tpu.memref_squeeze %dma_start3A_183 : memref<1x9x128xi32, #tpu.memory_space<hbm>> -> memref<9x128xi32, #tpu.memory_space<hbm>>
      %dma_start3A_185 = arith.constant 0 : i32
      %dma_start3A_186 = arith.constant 0 : i32
      %dma_start3A_187 = tpu.memref_slice %arg3[%add3A, %dma_start3A_185, %dma_start3A_186] : memref<32x9x128xi32, #tpu.memory_space<hbm>> -> memref<1x9x128xi32, #tpu.memory_space<hbm>>
      %dma_start3A_188 = tpu.memref_squeeze %dma_start3A_187 : memref<1x9x128xi32, #tpu.memory_space<hbm>> -> memref<9x128xi32, #tpu.memory_space<hbm>>
      tpu.enqueue_dma source(%dma_start3A_188 : memref<9x128xi32, #tpu.memory_space<hbm>>) target(%arg5 : memref<9x128xi32, #tpu.memory_space<vmem>>) target_semaphore(%run_scoped3A : memref<!tpu.dma_semaphore, #tpu.memory_space<semaphore_mem>>)
      %dma_wait3A_189 = arith.constant 0 : i32
      %dma_wait3A_190 = arith.constant 0 : i32
      %dma_wait3A_191 = tpu.memref_slice %arg3[%add3A, %dma_wait3A_189, %dma_wait3A_190] : memref<32x9x128xi32, #tpu.memory_space<hbm>> -> memref<1x9x128xi32, #tpu.memory_space<hbm>>
      %dma_wait3A_192 = tpu.memref_squeeze %dma_wait3A_191 : memref<1x9x128xi32, #tpu.memory_space<hbm>> -> memref<9x128xi32, #tpu.memory_space<hbm>>
      %dma_wait3A_193 = arith.constant 0 : i32
      %dma_wait3A_194 = arith.constant 0 : i32
      %dma_wait3A_195 = tpu.memref_slice %arg3[%add3A, %dma_wait3A_193, %dma_wait3A_194] : memref<32x9x128xi32, #tpu.memory_space<hbm>> -> memref<1x9x128xi32, #tpu.memory_space<hbm>>
      %dma_wait3A_196 = tpu.memref_squeeze %dma_wait3A_195 : memref<1x9x128xi32, #tpu.memory_space<hbm>> -> memref<9x128xi32, #tpu.memory_space<hbm>>
      tpu.wait_dma2 semaphore(%run_scoped3A : memref<!tpu.dma_semaphore, #tpu.memory_space<semaphore_mem>>) src(%dma_wait3A_196 : memref<9x128xi32, #tpu.memory_space<hbm>>) dst(%arg5 : memref<9x128xi32, #tpu.memory_space<vmem>>)
      tpu.yield
    }) : () -> ()
    %dma_start3A = arith.constant 0 : i32
    %dma_start3A_1 = arith.constant 0 : i32
    %dma_start3A_2 = arith.constant 0 : i32
    %dma_start3A_3 = tpu.memref_slice %arg6[%dma_start3A_1, %dma_start3A_2] : memref<1152x64xf32, #tpu.memory_space<vmem>> -> memref<128x64xf32, #tpu.memory_space<vmem>>
    %dma_start3A_4 = arith.constant 0 : i32
    %dma_start3A_5 = tpu.memref_slice %arg5[%dma_start3A, %dma_start3A_4] : memref<9x128xi32, #tpu.memory_space<vmem>> -> memref<1x128xi32, #tpu.memory_space<vmem>>
    %dma_start3A_6 = tpu.memref_squeeze %dma_start3A_5 : memref<1x128xi32, #tpu.memory_space<vmem>> -> memref<128xi32, #tpu.memory_space<vmem>>
    %dma_start3A_7 = arith.constant 0 : i32
    %dma_start3A_8 = arith.constant 0 : i32
    %dma_start3A_9 = tpu.memref_slice %arg2[%dma_start3A_7, %dma_start3A_8] : memref<1024x64xf32, #tpu.memory_space<hbm>> -> memref<1024x64xf32, #tpu.memory_space<hbm>>
    tpu.enqueue_indirect_dma source(%dma_start3A_9 : memref<1024x64xf32, #tpu.memory_space<hbm>>) target(%dma_start3A_3 : memref<128x64xf32, #tpu.memory_space<vmem>>) offsets(%dma_start3A_6 : memref<128xi32, #tpu.memory_space<vmem>>) semaphore(%arg7 : memref<!tpu.dma_semaphore, #tpu.memory_space<semaphore_mem>>)
    %dma_start3A_10 = arith.constant 1 : i32
    %dma_start3A_11 = arith.constant 128 : i32
    %dma_start3A_12 = arith.constant 0 : i32
    %dma_start3A_13 = tpu.memref_slice %arg6[%dma_start3A_11, %dma_start3A_12] : memref<1152x64xf32, #tpu.memory_space<vmem>> -> memref<128x64xf32, #tpu.memory_space<vmem>>
    %dma_start3A_14 = arith.constant 0 : i32
    %dma_start3A_15 = tpu.memref_slice %arg5[%dma_start3A_10, %dma_start3A_14] : memref<9x128xi32, #tpu.memory_space<vmem>> -> memref<1x128xi32, #tpu.memory_space<vmem>>
    %dma_start3A_16 = tpu.memref_squeeze %dma_start3A_15 : memref<1x128xi32, #tpu.memory_space<vmem>> -> memref<128xi32, #tpu.memory_space<vmem>>
    %dma_start3A_17 = arith.constant 0 : i32
    %dma_start3A_18 = arith.constant 0 : i32
    %dma_start3A_19 = tpu.memref_slice %arg2[%dma_start3A_17, %dma_start3A_18] : memref<1024x64xf32, #tpu.memory_space<hbm>> -> memref<1024x64xf32, #tpu.memory_space<hbm>>
    tpu.enqueue_indirect_dma source(%dma_start3A_19 : memref<1024x64xf32, #tpu.memory_space<hbm>>) target(%dma_start3A_13 : memref<128x64xf32, #tpu.memory_space<vmem>>) offsets(%dma_start3A_16 : memref<128xi32, #tpu.memory_space<vmem>>) semaphore(%arg7 : memref<!tpu.dma_semaphore, #tpu.memory_space<semaphore_mem>>)
    %dma_start3A_20 = arith.constant 2 : i32
    %dma_start3A_21 = arith.constant 256 : i32
    %dma_start3A_22 = arith.constant 0 : i32
    %dma_start3A_23 = tpu.memref_slice %arg6[%dma_start3A_21, %dma_start3A_22] : memref<1152x64xf32, #tpu.memory_space<vmem>> -> memref<128x64xf32, #tpu.memory_space<vmem>>
    %dma_start3A_24 = arith.constant 0 : i32
    %dma_start3A_25 = tpu.memref_slice %arg5[%dma_start3A_20, %dma_start3A_24] : memref<9x128xi32, #tpu.memory_space<vmem>> -> memref<1x128xi32, #tpu.memory_space<vmem>>
    %dma_start3A_26 = tpu.memref_squeeze %dma_start3A_25 : memref<1x128xi32, #tpu.memory_space<vmem>> -> memref<128xi32, #tpu.memory_space<vmem>>
    %dma_start3A_27 = arith.constant 0 : i32
    %dma_start3A_28 = arith.constant 0 : i32
    %dma_start3A_29 = tpu.memref_slice %arg2[%dma_start3A_27, %dma_start3A_28] : memref<1024x64xf32, #tpu.memory_space<hbm>> -> memref<1024x64xf32, #tpu.memory_space<hbm>>
    tpu.enqueue_indirect_dma source(%dma_start3A_29 : memref<1024x64xf32, #tpu.memory_space<hbm>>) target(%dma_start3A_23 : memref<128x64xf32, #tpu.memory_space<vmem>>) offsets(%dma_start3A_26 : memref<128xi32, #tpu.memory_space<vmem>>) semaphore(%arg7 : memref<!tpu.dma_semaphore, #tpu.memory_space<semaphore_mem>>)
    %dma_start3A_30 = arith.constant 3 : i32
    %dma_start3A_31 = arith.constant 384 : i32
    %dma_start3A_32 = arith.constant 0 : i32
    %dma_start3A_33 = tpu.memref_slice %arg6[%dma_start3A_31, %dma_start3A_32] : memref<1152x64xf32, #tpu.memory_space<vmem>> -> memref<128x64xf32, #tpu.memory_space<vmem>>
    %dma_start3A_34 = arith.constant 0 : i32
    %dma_start3A_35 = tpu.memref_slice %arg5[%dma_start3A_30, %dma_start3A_34] : memref<9x128xi32, #tpu.memory_space<vmem>> -> memref<1x128xi32, #tpu.memory_space<vmem>>
    %dma_start3A_36 = tpu.memref_squeeze %dma_start3A_35 : memref<1x128xi32, #tpu.memory_space<vmem>> -> memref<128xi32, #tpu.memory_space<vmem>>
    %dma_start3A_37 = arith.constant 0 : i32
    %dma_start3A_38 = arith.constant 0 : i32
    %dma_start3A_39 = tpu.memref_slice %arg2[%dma_start3A_37, %dma_start3A_38] : memref<1024x64xf32, #tpu.memory_space<hbm>> -> memref<1024x64xf32, #tpu.memory_space<hbm>>
    tpu.enqueue_indirect_dma source(%dma_start3A_39 : memref<1024x64xf32, #tpu.memory_space<hbm>>) target(%dma_start3A_33 : memref<128x64xf32, #tpu.memory_space<vmem>>) offsets(%dma_start3A_36 : memref<128xi32, #tpu.memory_space<vmem>>) semaphore(%arg7 : memref<!tpu.dma_semaphore, #tpu.memory_space<semaphore_mem>>)
    %dma_start3A_40 = arith.constant 4 : i32
    %dma_start3A_41 = arith.constant 512 : i32
    %dma_start3A_42 = arith.constant 0 : i32
    %dma_start3A_43 = tpu.memref_slice %arg6[%dma_start3A_41, %dma_start3A_42] : memref<1152x64xf32, #tpu.memory_space<vmem>> -> memref<128x64xf32, #tpu.memory_space<vmem>>
    %dma_start3A_44 = arith.constant 0 : i32
    %dma_start3A_45 = tpu.memref_slice %arg5[%dma_start3A_40, %dma_start3A_44] : memref<9x128xi32, #tpu.memory_space<vmem>> -> memref<1x128xi32, #tpu.memory_space<vmem>>
    %dma_start3A_46 = tpu.memref_squeeze %dma_start3A_45 : memref<1x128xi32, #tpu.memory_space<vmem>> -> memref<128xi32, #tpu.memory_space<vmem>>
    %dma_start3A_47 = arith.constant 0 : i32
    %dma_start3A_48 = arith.constant 0 : i32
    %dma_start3A_49 = tpu.memref_slice %arg2[%dma_start3A_47, %dma_start3A_48] : memref<1024x64xf32, #tpu.memory_space<hbm>> -> memref<1024x64xf32, #tpu.memory_space<hbm>>
    tpu.enqueue_indirect_dma source(%dma_start3A_49 : memref<1024x64xf32, #tpu.memory_space<hbm>>) target(%dma_start3A_43 : memref<128x64xf32, #tpu.memory_space<vmem>>) offsets(%dma_start3A_46 : memref<128xi32, #tpu.memory_space<vmem>>) semaphore(%arg7 : memref<!tpu.dma_semaphore, #tpu.memory_space<semaphore_mem>>)
    %dma_start3A_50 = arith.constant 5 : i32
    %dma_start3A_51 = arith.constant 640 : i32
    %dma_start3A_52 = arith.constant 0 : i32
    %dma_start3A_53 = tpu.memref_slice %arg6[%dma_start3A_51, %dma_start3A_52] : memref<1152x64xf32, #tpu.memory_space<vmem>> -> memref<128x64xf32, #tpu.memory_space<vmem>>
    %dma_start3A_54 = arith.constant 0 : i32
    %dma_start3A_55 = tpu.memref_slice %arg5[%dma_start3A_50, %dma_start3A_54] : memref<9x128xi32, #tpu.memory_space<vmem>> -> memref<1x128xi32, #tpu.memory_space<vmem>>
    %dma_start3A_56 = tpu.memref_squeeze %dma_start3A_55 : memref<1x128xi32, #tpu.memory_space<vmem>> -> memref<128xi32, #tpu.memory_space<vmem>>
    %dma_start3A_57 = arith.constant 0 : i32
    %dma_start3A_58 = arith.constant 0 : i32
    %dma_start3A_59 = tpu.memref_slice %arg2[%dma_start3A_57, %dma_start3A_58] : memref<1024x64xf32, #tpu.memory_space<hbm>> -> memref<1024x64xf32, #tpu.memory_space<hbm>>
    tpu.enqueue_indirect_dma source(%dma_start3A_59 : memref<1024x64xf32, #tpu.memory_space<hbm>>) target(%dma_start3A_53 : memref<128x64xf32, #tpu.memory_space<vmem>>) offsets(%dma_start3A_56 : memref<128xi32, #tpu.memory_space<vmem>>) semaphore(%arg7 : memref<!tpu.dma_semaphore, #tpu.memory_space<semaphore_mem>>)
    %dma_start3A_60 = arith.constant 6 : i32
    %dma_start3A_61 = arith.constant 768 : i32
    %dma_start3A_62 = arith.constant 0 : i32
    %dma_start3A_63 = tpu.memref_slice %arg6[%dma_start3A_61, %dma_start3A_62] : memref<1152x64xf32, #tpu.memory_space<vmem>> -> memref<128x64xf32, #tpu.memory_space<vmem>>
    %dma_start3A_64 = arith.constant 0 : i32
    %dma_start3A_65 = tpu.memref_slice %arg5[%dma_start3A_60, %dma_start3A_64] : memref<9x128xi32, #tpu.memory_space<vmem>> -> memref<1x128xi32, #tpu.memory_space<vmem>>
    %dma_start3A_66 = tpu.memref_squeeze %dma_start3A_65 : memref<1x128xi32, #tpu.memory_space<vmem>> -> memref<128xi32, #tpu.memory_space<vmem>>
    %dma_start3A_67 = arith.constant 0 : i32
    %dma_start3A_68 = arith.constant 0 : i32
    %dma_start3A_69 = tpu.memref_slice %arg2[%dma_start3A_67, %dma_start3A_68] : memref<1024x64xf32, #tpu.memory_space<hbm>> -> memref<1024x64xf32, #tpu.memory_space<hbm>>
    tpu.enqueue_indirect_dma source(%dma_start3A_69 : memref<1024x64xf32, #tpu.memory_space<hbm>>) target(%dma_start3A_63 : memref<128x64xf32, #tpu.memory_space<vmem>>) offsets(%dma_start3A_66 : memref<128xi32, #tpu.memory_space<vmem>>) semaphore(%arg7 : memref<!tpu.dma_semaphore, #tpu.memory_space<semaphore_mem>>)
    %dma_start3A_70 = arith.constant 7 : i32
    %dma_start3A_71 = arith.constant 896 : i32
    %dma_start3A_72 = arith.constant 0 : i32
    %dma_start3A_73 = tpu.memref_slice %arg6[%dma_start3A_71, %dma_start3A_72] : memref<1152x64xf32, #tpu.memory_space<vmem>> -> memref<128x64xf32, #tpu.memory_space<vmem>>
    %dma_start3A_74 = arith.constant 0 : i32
    %dma_start3A_75 = tpu.memref_slice %arg5[%dma_start3A_70, %dma_start3A_74] : memref<9x128xi32, #tpu.memory_space<vmem>> -> memref<1x128xi32, #tpu.memory_space<vmem>>
    %dma_start3A_76 = tpu.memref_squeeze %dma_start3A_75 : memref<1x128xi32, #tpu.memory_space<vmem>> -> memref<128xi32, #tpu.memory_space<vmem>>
    %dma_start3A_77 = arith.constant 0 : i32
    %dma_start3A_78 = arith.constant 0 : i32
    %dma_start3A_79 = tpu.memref_slice %arg2[%dma_start3A_77, %dma_start3A_78] : memref<1024x64xf32, #tpu.memory_space<hbm>> -> memref<1024x64xf32, #tpu.memory_space<hbm>>
    tpu.enqueue_indirect_dma source(%dma_start3A_79 : memref<1024x64xf32, #tpu.memory_space<hbm>>) target(%dma_start3A_73 : memref<128x64xf32, #tpu.memory_space<vmem>>) offsets(%dma_start3A_76 : memref<128xi32, #tpu.memory_space<vmem>>) semaphore(%arg7 : memref<!tpu.dma_semaphore, #tpu.memory_space<semaphore_mem>>)
    %dma_start3A_80 = arith.constant 8 : i32
    %dma_start3A_81 = arith.constant 1024 : i32
    %dma_start3A_82 = arith.constant 0 : i32
    %dma_start3A_83 = tpu.memref_slice %arg6[%dma_start3A_81, %dma_start3A_82] : memref<1152x64xf32, #tpu.memory_space<vmem>> -> memref<128x64xf32, #tpu.memory_space<vmem>>
    %dma_start3A_84 = arith.constant 0 : i32
    %dma_start3A_85 = tpu.memref_slice %arg5[%dma_start3A_80, %dma_start3A_84] : memref<9x128xi32, #tpu.memory_space<vmem>> -> memref<1x128xi32, #tpu.memory_space<vmem>>
    %dma_start3A_86 = tpu.memref_squeeze %dma_start3A_85 : memref<1x128xi32, #tpu.memory_space<vmem>> -> memref<128xi32, #tpu.memory_space<vmem>>
    %dma_start3A_87 = arith.constant 0 : i32
    %dma_start3A_88 = arith.constant 0 : i32
    %dma_start3A_89 = tpu.memref_slice %arg2[%dma_start3A_87, %dma_start3A_88] : memref<1024x64xf32, #tpu.memory_space<hbm>> -> memref<1024x64xf32, #tpu.memory_space<hbm>>
    tpu.enqueue_indirect_dma source(%dma_start3A_89 : memref<1024x64xf32, #tpu.memory_space<hbm>>) target(%dma_start3A_83 : memref<128x64xf32, #tpu.memory_space<vmem>>) offsets(%dma_start3A_86 : memref<128xi32, #tpu.memory_space<vmem>>) semaphore(%arg7 : memref<!tpu.dma_semaphore, #tpu.memory_space<semaphore_mem>>)
    %dma_wait3A = arith.constant 0 : i32
    %dma_wait3A_90 = arith.constant 0 : i32
    %dma_wait3A_91 = arith.constant 0 : i32
    %dma_wait3A_92 = tpu.memref_slice %arg6[%dma_wait3A_90, %dma_wait3A_91] : memref<1152x64xf32, #tpu.memory_space<vmem>> -> memref<128x64xf32, #tpu.memory_space<vmem>>
    %dma_wait3A_93 = arith.constant 0 : i32
    %dma_wait3A_94 = tpu.memref_slice %arg5[%dma_wait3A, %dma_wait3A_93] : memref<9x128xi32, #tpu.memory_space<vmem>> -> memref<1x128xi32, #tpu.memory_space<vmem>>
    %dma_wait3A_95 = tpu.memref_squeeze %dma_wait3A_94 : memref<1x128xi32, #tpu.memory_space<vmem>> -> memref<128xi32, #tpu.memory_space<vmem>>
    %dma_wait3A_96 = arith.constant 0 : i32
    %dma_wait3A_97 = arith.constant 0 : i32
    %dma_wait3A_98 = tpu.memref_slice %arg2[%dma_wait3A_96, %dma_wait3A_97] : memref<1024x64xf32, #tpu.memory_space<hbm>> -> memref<1024x64xf32, #tpu.memory_space<hbm>>
    tpu.wait_indirect_dma semaphore(%arg7 : memref<!tpu.dma_semaphore, #tpu.memory_space<semaphore_mem>>) src(%dma_wait3A_98 : memref<1024x64xf32, #tpu.memory_space<hbm>>) dst(%dma_wait3A_92 : memref<128x64xf32, #tpu.memory_space<vmem>>)
    %dma_wait3A_99 = arith.constant 1 : i32
    %dma_wait3A_100 = arith.constant 128 : i32
    %dma_wait3A_101 = arith.constant 0 : i32
    %dma_wait3A_102 = tpu.memref_slice %arg6[%dma_wait3A_100, %dma_wait3A_101] : memref<1152x64xf32, #tpu.memory_space<vmem>> -> memref<128x64xf32, #tpu.memory_space<vmem>>
    %dma_wait3A_103 = arith.constant 0 : i32
    %dma_wait3A_104 = tpu.memref_slice %arg5[%dma_wait3A_99, %dma_wait3A_103] : memref<9x128xi32, #tpu.memory_space<vmem>> -> memref<1x128xi32, #tpu.memory_space<vmem>>
    %dma_wait3A_105 = tpu.memref_squeeze %dma_wait3A_104 : memref<1x128xi32, #tpu.memory_space<vmem>> -> memref<128xi32, #tpu.memory_space<vmem>>
    %dma_wait3A_106 = arith.constant 0 : i32
    %dma_wait3A_107 = arith.constant 0 : i32
    %dma_wait3A_108 = tpu.memref_slice %arg2[%dma_wait3A_106, %dma_wait3A_107] : memref<1024x64xf32, #tpu.memory_space<hbm>> -> memref<1024x64xf32, #tpu.memory_space<hbm>>
    tpu.wait_indirect_dma semaphore(%arg7 : memref<!tpu.dma_semaphore, #tpu.memory_space<semaphore_mem>>) src(%dma_wait3A_108 : memref<1024x64xf32, #tpu.memory_space<hbm>>) dst(%dma_wait3A_102 : memref<128x64xf32, #tpu.memory_space<vmem>>)
    %dma_wait3A_109 = arith.constant 2 : i32
    %dma_wait3A_110 = arith.constant 256 : i32
    %dma_wait3A_111 = arith.constant 0 : i32
    %dma_wait3A_112 = tpu.memref_slice %arg6[%dma_wait3A_110, %dma_wait3A_111] : memref<1152x64xf32, #tpu.memory_space<vmem>> -> memref<128x64xf32, #tpu.memory_space<vmem>>
    %dma_wait3A_113 = arith.constant 0 : i32
    %dma_wait3A_114 = tpu.memref_slice %arg5[%dma_wait3A_109, %dma_wait3A_113] : memref<9x128xi32, #tpu.memory_space<vmem>> -> memref<1x128xi32, #tpu.memory_space<vmem>>
    %dma_wait3A_115 = tpu.memref_squeeze %dma_wait3A_114 : memref<1x128xi32, #tpu.memory_space<vmem>> -> memref<128xi32, #tpu.memory_space<vmem>>
    %dma_wait3A_116 = arith.constant 0 : i32
    %dma_wait3A_117 = arith.constant 0 : i32
    %dma_wait3A_118 = tpu.memref_slice %arg2[%dma_wait3A_116, %dma_wait3A_117] : memref<1024x64xf32, #tpu.memory_space<hbm>> -> memref<1024x64xf32, #tpu.memory_space<hbm>>
    tpu.wait_indirect_dma semaphore(%arg7 : memref<!tpu.dma_semaphore, #tpu.memory_space<semaphore_mem>>) src(%dma_wait3A_118 : memref<1024x64xf32, #tpu.memory_space<hbm>>) dst(%dma_wait3A_112 : memref<128x64xf32, #tpu.memory_space<vmem>>)
    %dma_wait3A_119 = arith.constant 3 : i32
    %dma_wait3A_120 = arith.constant 384 : i32
    %dma_wait3A_121 = arith.constant 0 : i32
    %dma_wait3A_122 = tpu.memref_slice %arg6[%dma_wait3A_120, %dma_wait3A_121] : memref<1152x64xf32, #tpu.memory_space<vmem>> -> memref<128x64xf32, #tpu.memory_space<vmem>>
    %dma_wait3A_123 = arith.constant 0 : i32
    %dma_wait3A_124 = tpu.memref_slice %arg5[%dma_wait3A_119, %dma_wait3A_123] : memref<9x128xi32, #tpu.memory_space<vmem>> -> memref<1x128xi32, #tpu.memory_space<vmem>>
    %dma_wait3A_125 = tpu.memref_squeeze %dma_wait3A_124 : memref<1x128xi32, #tpu.memory_space<vmem>> -> memref<128xi32, #tpu.memory_space<vmem>>
    %dma_wait3A_126 = arith.constant 0 : i32
    %dma_wait3A_127 = arith.constant 0 : i32
    %dma_wait3A_128 = tpu.memref_slice %arg2[%dma_wait3A_126, %dma_wait3A_127] : memref<1024x64xf32, #tpu.memory_space<hbm>> -> memref<1024x64xf32, #tpu.memory_space<hbm>>
    tpu.wait_indirect_dma semaphore(%arg7 : memref<!tpu.dma_semaphore, #tpu.memory_space<semaphore_mem>>) src(%dma_wait3A_128 : memref<1024x64xf32, #tpu.memory_space<hbm>>) dst(%dma_wait3A_122 : memref<128x64xf32, #tpu.memory_space<vmem>>)
    %dma_wait3A_129 = arith.constant 4 : i32
    %dma_wait3A_130 = arith.constant 512 : i32
    %dma_wait3A_131 = arith.constant 0 : i32
    %dma_wait3A_132 = tpu.memref_slice %arg6[%dma_wait3A_130, %dma_wait3A_131] : memref<1152x64xf32, #tpu.memory_space<vmem>> -> memref<128x64xf32, #tpu.memory_space<vmem>>
    %dma_wait3A_133 = arith.constant 0 : i32
    %dma_wait3A_134 = tpu.memref_slice %arg5[%dma_wait3A_129, %dma_wait3A_133] : memref<9x128xi32, #tpu.memory_space<vmem>> -> memref<1x128xi32, #tpu.memory_space<vmem>>
    %dma_wait3A_135 = tpu.memref_squeeze %dma_wait3A_134 : memref<1x128xi32, #tpu.memory_space<vmem>> -> memref<128xi32, #tpu.memory_space<vmem>>
    %dma_wait3A_136 = arith.constant 0 : i32
    %dma_wait3A_137 = arith.constant 0 : i32
    %dma_wait3A_138 = tpu.memref_slice %arg2[%dma_wait3A_136, %dma_wait3A_137] : memref<1024x64xf32, #tpu.memory_space<hbm>> -> memref<1024x64xf32, #tpu.memory_space<hbm>>
    tpu.wait_indirect_dma semaphore(%arg7 : memref<!tpu.dma_semaphore, #tpu.memory_space<semaphore_mem>>) src(%dma_wait3A_138 : memref<1024x64xf32, #tpu.memory_space<hbm>>) dst(%dma_wait3A_132 : memref<128x64xf32, #tpu.memory_space<vmem>>)
    %dma_wait3A_139 = arith.constant 5 : i32
    %dma_wait3A_140 = arith.constant 640 : i32
    %dma_wait3A_141 = arith.constant 0 : i32
    %dma_wait3A_142 = tpu.memref_slice %arg6[%dma_wait3A_140, %dma_wait3A_141] : memref<1152x64xf32, #tpu.memory_space<vmem>> -> memref<128x64xf32, #tpu.memory_space<vmem>>
    %dma_wait3A_143 = arith.constant 0 : i32
    %dma_wait3A_144 = tpu.memref_slice %arg5[%dma_wait3A_139, %dma_wait3A_143] : memref<9x128xi32, #tpu.memory_space<vmem>> -> memref<1x128xi32, #tpu.memory_space<vmem>>
    %dma_wait3A_145 = tpu.memref_squeeze %dma_wait3A_144 : memref<1x128xi32, #tpu.memory_space<vmem>> -> memref<128xi32, #tpu.memory_space<vmem>>
    %dma_wait3A_146 = arith.constant 0 : i32
    %dma_wait3A_147 = arith.constant 0 : i32
    %dma_wait3A_148 = tpu.memref_slice %arg2[%dma_wait3A_146, %dma_wait3A_147] : memref<1024x64xf32, #tpu.memory_space<hbm>> -> memref<1024x64xf32, #tpu.memory_space<hbm>>
    tpu.wait_indirect_dma semaphore(%arg7 : memref<!tpu.dma_semaphore, #tpu.memory_space<semaphore_mem>>) src(%dma_wait3A_148 : memref<1024x64xf32, #tpu.memory_space<hbm>>) dst(%dma_wait3A_142 : memref<128x64xf32, #tpu.memory_space<vmem>>)
    %dma_wait3A_149 = arith.constant 6 : i32
    %dma_wait3A_150 = arith.constant 768 : i32
    %dma_wait3A_151 = arith.constant 0 : i32
    %dma_wait3A_152 = tpu.memref_slice %arg6[%dma_wait3A_150, %dma_wait3A_151] : memref<1152x64xf32, #tpu.memory_space<vmem>> -> memref<128x64xf32, #tpu.memory_space<vmem>>
    %dma_wait3A_153 = arith.constant 0 : i32
    %dma_wait3A_154 = tpu.memref_slice %arg5[%dma_wait3A_149, %dma_wait3A_153] : memref<9x128xi32, #tpu.memory_space<vmem>> -> memref<1x128xi32, #tpu.memory_space<vmem>>
    %dma_wait3A_155 = tpu.memref_squeeze %dma_wait3A_154 : memref<1x128xi32, #tpu.memory_space<vmem>> -> memref<128xi32, #tpu.memory_space<vmem>>
    %dma_wait3A_156 = arith.constant 0 : i32
    %dma_wait3A_157 = arith.constant 0 : i32
    %dma_wait3A_158 = tpu.memref_slice %arg2[%dma_wait3A_156, %dma_wait3A_157] : memref<1024x64xf32, #tpu.memory_space<hbm>> -> memref<1024x64xf32, #tpu.memory_space<hbm>>
    tpu.wait_indirect_dma semaphore(%arg7 : memref<!tpu.dma_semaphore, #tpu.memory_space<semaphore_mem>>) src(%dma_wait3A_158 : memref<1024x64xf32, #tpu.memory_space<hbm>>) dst(%dma_wait3A_152 : memref<128x64xf32, #tpu.memory_space<vmem>>)
    %dma_wait3A_159 = arith.constant 7 : i32
    %dma_wait3A_160 = arith.constant 896 : i32
    %dma_wait3A_161 = arith.constant 0 : i32
    %dma_wait3A_162 = tpu.memref_slice %arg6[%dma_wait3A_160, %dma_wait3A_161] : memref<1152x64xf32, #tpu.memory_space<vmem>> -> memref<128x64xf32, #tpu.memory_space<vmem>>
    %dma_wait3A_163 = arith.constant 0 : i32
    %dma_wait3A_164 = tpu.memref_slice %arg5[%dma_wait3A_159, %dma_wait3A_163] : memref<9x128xi32, #tpu.memory_space<vmem>> -> memref<1x128xi32, #tpu.memory_space<vmem>>
    %dma_wait3A_165 = tpu.memref_squeeze %dma_wait3A_164 : memref<1x128xi32, #tpu.memory_space<vmem>> -> memref<128xi32, #tpu.memory_space<vmem>>
    %dma_wait3A_166 = arith.constant 0 : i32
    %dma_wait3A_167 = arith.constant 0 : i32
    %dma_wait3A_168 = tpu.memref_slice %arg2[%dma_wait3A_166, %dma_wait3A_167] : memref<1024x64xf32, #tpu.memory_space<hbm>> -> memref<1024x64xf32, #tpu.memory_space<hbm>>
    tpu.wait_indirect_dma semaphore(%arg7 : memref<!tpu.dma_semaphore, #tpu.memory_space<semaphore_mem>>) src(%dma_wait3A_168 : memref<1024x64xf32, #tpu.memory_space<hbm>>) dst(%dma_wait3A_162 : memref<128x64xf32, #tpu.memory_space<vmem>>)
    %dma_wait3A_169 = arith.constant 8 : i32
    %dma_wait3A_170 = arith.constant 1024 : i32
    %dma_wait3A_171 = arith.constant 0 : i32
    %dma_wait3A_172 = tpu.memref_slice %arg6[%dma_wait3A_170, %dma_wait3A_171] : memref<1152x64xf32, #tpu.memory_space<vmem>> -> memref<128x64xf32, #tpu.memory_space<vmem>>
    %dma_wait3A_173 = arith.constant 0 : i32
    %dma_wait3A_174 = tpu.memref_slice %arg5[%dma_wait3A_169, %dma_wait3A_173] : memref<9x128xi32, #tpu.memory_space<vmem>> -> memref<1x128xi32, #tpu.memory_space<vmem>>
    %dma_wait3A_175 = tpu.memref_squeeze %dma_wait3A_174 : memref<1x128xi32, #tpu.memory_space<vmem>> -> memref<128xi32, #tpu.memory_space<vmem>>
    %dma_wait3A_176 = arith.constant 0 : i32
    %dma_wait3A_177 = arith.constant 0 : i32
    %dma_wait3A_178 = tpu.memref_slice %arg2[%dma_wait3A_176, %dma_wait3A_177] : memref<1024x64xf32, #tpu.memory_space<hbm>> -> memref<1024x64xf32, #tpu.memory_space<hbm>>
    tpu.wait_indirect_dma semaphore(%arg7 : memref<!tpu.dma_semaphore, #tpu.memory_space<semaphore_mem>>) src(%dma_wait3A_178 : memref<1024x64xf32, #tpu.memory_space<hbm>>) dst(%dma_wait3A_172 : memref<128x64xf32, #tpu.memory_space<vmem>>)
    %mul3A_179 = arith.constant 1152 : i32
    %mul3A_180 = arith.muli %add3A, %mul3A_179 : i32
    "tpu.region"() ({
      %run_scoped3A = tpu.sem_alloc : memref<!tpu.dma_semaphore, #tpu.memory_space<semaphore_mem>>
      %dma_start3A_181 = arith.constant 0 : i32
      %dma_start3A_182 = tpu.memref_slice %arg4[%mul3A_180, %dma_start3A_181] : memref<36864x64xf32, #tpu.memory_space<hbm>> -> memref<1152x64xf32, #tpu.memory_space<hbm>>
      %dma_start3A_183 = arith.constant 0 : i32
      %dma_start3A_184 = tpu.memref_slice %arg4[%mul3A_180, %dma_start3A_183] : memref<36864x64xf32, #tpu.memory_space<hbm>> -> memref<1152x64xf32, #tpu.memory_space<hbm>>
      tpu.enqueue_dma source(%arg6 : memref<1152x64xf32, #tpu.memory_space<vmem>>) target(%dma_start3A_184 : memref<1152x64xf32, #tpu.memory_space<hbm>>) target_semaphore(%run_scoped3A : memref<!tpu.dma_semaphore, #tpu.memory_space<semaphore_mem>>)
      %dma_wait3A_185 = arith.constant 0 : i32
      %dma_wait3A_186 = tpu.memref_slice %arg4[%mul3A_180, %dma_wait3A_185] : memref<36864x64xf32, #tpu.memory_space<hbm>> -> memref<1152x64xf32, #tpu.memory_space<hbm>>
      %dma_wait3A_187 = arith.constant 0 : i32
      %dma_wait3A_188 = tpu.memref_slice %arg4[%mul3A_180, %dma_wait3A_187] : memref<36864x64xf32, #tpu.memory_space<hbm>> -> memref<1152x64xf32, #tpu.memory_space<hbm>>
      tpu.wait_dma2 semaphore(%run_scoped3A : memref<!tpu.dma_semaphore, #tpu.memory_space<semaphore_mem>>) src(%arg6 : memref<1152x64xf32, #tpu.memory_space<vmem>>) dst(%dma_wait3A_188 : memref<1152x64xf32, #tpu.memory_space<hbm>>)
      tpu.yield
    }) : () -> ()
    return
  }
}

module attributes {stable_mosaic.version = 14 : i64} {
  func.func @_dist_body(%arg0: i32, %arg1: memref<128x576xf32, #tpu.memory_space<vmem>>, %arg2: memref<1024x64xf32, #tpu.memory_space<vmem>>, %arg3: memref<1024x1xf32, #tpu.memory_space<vmem>>, %arg4: memref<1x1x1152xi32, #tpu.memory_space<vmem>>, %arg5: memref<1x1xf32, #tpu.memory_space<vmem>>) attributes {dimension_semantics = [#tpu.dimension_semantics<arbitrary>], iteration_bounds = array<i64: 32>, scalar_prefetch = 0 : i64, scratch_operands = 0 : i64, tpu.core_type = #tpu.core_type<tc>, window_params = [{transform_indices = @transform_0, window_bounds = array<i64: 128, 576>}, {pipeline_mode = #tpu.pipeline_mode<synchronous>, transform_indices = @transform_1, window_bounds = array<i64: 1024, 64>}, {pipeline_mode = #tpu.pipeline_mode<synchronous>, transform_indices = @transform_2, window_bounds = array<i64: 1024, 1>}, {transform_indices = @transform_3, window_bounds = array<i64: 1, 1, 1152>}, {pipeline_mode = #tpu.pipeline_mode<synchronous>, transform_indices = @transform_4, window_bounds = array<i64: 1, 1>}]} {
    %get3A = arith.constant 0 : index
    %get3A_0 = arith.constant 0 : index
    %get3A_1 = vector.load %arg1[%get3A, %get3A_0] : memref<128x576xf32, #tpu.memory_space<vmem>>, vector<64x576xf32>
    %get3A_2 = arith.constant 64 : index
    %get3A_3 = arith.constant 0 : index
    %get3A_4 = vector.load %arg1[%get3A_2, %get3A_3] : memref<128x576xf32, #tpu.memory_space<vmem>>, vector<64x576xf32>
    %concatenate3A = tpu.concatenate %get3A_1, %get3A_4 in 1 : vector<64x576xf32>, vector<64x576xf32> -> vector<64x1152xf32>
    %get3A_5 = arith.constant 0 : index
    %get3A_6 = arith.constant 0 : index
    %get3A_7 = vector.load %arg2[%get3A_5, %get3A_6] : memref<1024x64xf32, #tpu.memory_space<vmem>>, vector<1024x64xf32>
    %dot_general3A = arith.constant dense<0.000000e+00> : vector<1024x1152xf32>
    %dot_general3A_8 = tpu.matmul %get3A_7, %concatenate3A, %dot_general3A {dimension_numbers = #tpu.dot_dimension_numbers<[1], [0], [0], [1], [0, 0, 1, 1], [], []>, transpose_lhs_hint = false} : vector<1024x64xf32>, vector<64x1152xf32>, vector<1024x1152xf32> -> vector<1024x1152xf32>
    %mul3A = arith.mulf %concatenate3A, %concatenate3A : vector<64x1152xf32>
    %reduce_sum3A = arith.constant dense<0.000000e+00> : vector<1152xf32>
    %reduce_sum3A_9 = vector.multi_reduction <add>, %mul3A, %reduce_sum3A [0] : vector<64x1152xf32> to vector<1152xf32>
    %broadcast_in_dim3A = vector.shape_cast %reduce_sum3A_9 : vector<1152xf32> to vector<1x1152xf32>
    %get3A_10 = arith.constant 0 : index
    %get3A_11 = arith.constant 0 : index
    %get3A_12 = vector.load %arg3[%get3A_10, %get3A_11] : memref<1024x1xf32, #tpu.memory_space<vmem>>, vector<1024x1xf32>
    %add3A = vector.broadcast %broadcast_in_dim3A : vector<1x1152xf32> to vector<1024x1152xf32>
    %add3A_13 = vector.broadcast %get3A_12 : vector<1024x1xf32> to vector<1024x1152xf32>
    %add3A_14 = arith.addf %add3A, %add3A_13 : vector<1024x1152xf32>
    %add3A_15 = arith.addf %add3A_14, %dot_general3A_8 : vector<1024x1152xf32>
    %reduce_min3A = arith.constant dense<0x7F800000> : vector<1152xf32>
    %reduce_min3A_16 = vector.multi_reduction <minimumf>, %add3A_15, %reduce_min3A [0] : vector<1024x1152xf32> to vector<1152xf32>
    %broadcast_in_dim3A_17 = vector.shape_cast %reduce_min3A_16 : vector<1152xf32> to vector<1x1152xf32>
    %iota3A = tpu.iota {dimensions = array<i32: 0>} : vector<1024x1152xi32>
    %convert_element_type3A = arith.sitofp %iota3A : vector<1024x1152xi32> to vector<1024x1152xf32>
    %eq3A = vector.broadcast %broadcast_in_dim3A_17 : vector<1x1152xf32> to vector<1024x1152xf32>
    %eq3A_18 = arith.cmpf oeq, %add3A_15, %eq3A : vector<1024x1152xf32>
    %jit3A = arith.constant 1.024000e+03 : f32
    %broadcast_in_dim3A_19 = vector.broadcast %jit3A : f32 to vector<1024x1152xf32>
    %select_n3A = arith.select %eq3A_18, %convert_element_type3A, %broadcast_in_dim3A_19 : vector<1024x1152xi1>, vector<1024x1152xf32>
    %reduce_min3A_20 = arith.constant dense<0x7F800000> : vector<1152xf32>
    %reduce_min3A_21 = vector.multi_reduction <minimumf>, %select_n3A, %reduce_min3A_20 [0] : vector<1024x1152xf32> to vector<1152xf32>
    %convert_element_type3A_22 = arith.fptosi %reduce_min3A_21 : vector<1152xf32> to vector<1152xi32>
    %swap3A = arith.constant 0 : index
    %swap3A_23 = arith.constant 0 : index
    %swap3A_24 = arith.constant 0 : index
    %swap3A_25 = vector.load %arg4[%swap3A, %swap3A_23, %swap3A_24] : memref<1x1x1152xi32, #tpu.memory_space<vmem>>, vector<1x1x1152xi32>
    %swap3A_26 = vector.shape_cast %swap3A_25 : vector<1x1x1152xi32> to vector<1152xi32>
    %swap3A_27 = vector.shape_cast %convert_element_type3A_22 : vector<1152xi32> to vector<1x1x1152xi32>
    tpu.vector_store %arg4[%swap3A, %swap3A_23, %swap3A_24], %swap3A_27 {strides = array<i32>} : memref<1x1x1152xi32, #tpu.memory_space<vmem>>, vector<1x1x1152xi32>,
    %eq3A_28 = arith.constant 0 : i32
    %eq3A_29 = arith.cmpi eq, %arg0, %eq3A_28 : i32
    %convert_element_type3A_30 = arith.extui %eq3A_29 : i1 to i32
    %cond3A = arith.constant 0 : i32
    %cond3A_31 = arith.cmpi ne, %convert_element_type3A_30, %cond3A : i32
    scf.if %cond3A_31 {
      %broadcast_in_dim3A_44 = arith.constant 0.000000e+00 : f32
      %broadcast_in_dim3A_45 = vector.broadcast %broadcast_in_dim3A_44 : f32 to vector<1x1xf32>
      %swap3A_46 = arith.constant 0 : index
      %swap3A_47 = arith.constant 0 : index
      %swap3A_48 = vector.load %arg5[%swap3A_46, %swap3A_47] : memref<1x1xf32, #tpu.memory_space<vmem>>, vector<1x1xf32>
      tpu.vector_store %arg5[%swap3A_46, %swap3A_47], %broadcast_in_dim3A_45 {strides = array<i32>} : memref<1x1xf32, #tpu.memory_space<vmem>>, vector<1x1xf32>,
    } else {
    }
    %get3A_32 = arith.constant 0 : index
    %get3A_33 = arith.constant 0 : index
    %get3A_34 = vector.load %arg5[%get3A_32, %get3A_33] : memref<1x1xf32, #tpu.memory_space<vmem>>, vector<1x1xf32>
    %reduce_sum3A_35 = vector.shape_cast %broadcast_in_dim3A_17 : vector<1x1152xf32> to vector<1x1x1152xf32>
    %reduce_sum3A_36 = arith.constant dense<0.000000e+00> : vector<1xf32>
    %reduce_sum3A_37 = vector.multi_reduction <add>, %reduce_sum3A_35, %reduce_sum3A_36 [1, 2] : vector<1x1x1152xf32> to vector<1xf32>
    %reduce_sum3A_38 = vector.shape_cast %reduce_sum3A_37 : vector<1xf32> to vector<1x1x1xf32>
    %reduce_sum3A_39 = vector.extract %reduce_sum3A_38[0, 0, 0] : f32 from vector<1x1x1xf32>
    %reshape3A = vector.broadcast %reduce_sum3A_39 : f32 to vector<1x1xf32>
    %add3A_40 = arith.addf %get3A_34, %reshape3A : vector<1x1xf32>
    %swap3A_41 = arith.constant 0 : index
    %swap3A_42 = arith.constant 0 : index
    %swap3A_43 = vector.load %arg5[%swap3A_41, %swap3A_42] : memref<1x1xf32, #tpu.memory_space<vmem>>, vector<1x1xf32>
    tpu.vector_store %arg5[%swap3A_41, %swap3A_42], %add3A_40 {strides = array<i32>} : memref<1x1xf32, #tpu.memory_space<vmem>>, vector<1x1xf32>,
    return
  }
  func.func @transform_0(%arg0: i32) -> (i32, i32) {
    %c0_i32 = arith.constant 0 : i32
    %c0_i32_0 = arith.constant 0 : i32
    return %arg0, %c0_i32 : i32, i32
  }
  func.func @transform_1(%arg0: i32) -> (i32, i32) {
    %c0_i32 = arith.constant 0 : i32
    %c0_i32_0 = arith.constant 0 : i32
    %c0_i32_1 = arith.constant 0 : i32
    return %c0_i32, %c0_i32_0 : i32, i32
  }
  func.func @transform_2(%arg0: i32) -> (i32, i32) {
    %c0_i32 = arith.constant 0 : i32
    %c0_i32_0 = arith.constant 0 : i32
    %c0_i32_1 = arith.constant 0 : i32
    return %c0_i32, %c0_i32_0 : i32, i32
  }
  func.func @transform_3(%arg0: i32) -> (i32, i32, i32) {
    %c0_i32 = arith.constant 0 : i32
    %c0_i32_0 = arith.constant 0 : i32
    %c0_i32_1 = arith.constant 0 : i32
    return %arg0, %c0_i32, %c0_i32_0 : i32, i32, i32
  }
  func.func @transform_4(%arg0: i32) -> (i32, i32) {
    %c0_i32 = arith.constant 0 : i32
    %c0_i32_0 = arith.constant 0 : i32
    %c0_i32_1 = arith.constant 0 : i32
    return %c0_i32, %c0_i32_0 : i32, i32
  }
}

</mosaic_0001>

<sc_bundles>
// kernel: kernel.4.cloned.1.call-start
scs
__scs_entry_jumppad:
0x0: {  	(pc) =	sbr.rel $0x88, $3  }
0x1: {  	(tag) =	ssettag $0x0;
	lr =	simm.s32 $0x1  }
0x2: {  	[smem:$0x3F9F] =	sst lr;
	_ =	strace $0xD0000000  }
0x3: {  	_ = 	snop  }
0x4: {  	_ = 	snop  }
0x5: {  	_ = 	snop  }
0x6: {  	_ = 	snop  }
0x7: {  	_ = 	snop  }
__scs_overlays_trampoline_lowered:
0x8: {  	[smem:$0x3FAE] =	sst s0  }
0x9: {  	[smem:$0x3FAF] =	sst s1  }
0xa: {  	[smem:$0x3FB0] =	sst s2  }
0xb: {  	[smem:$0x3FB1] =	sst s3  }
0xc: {  	[smem:$0x3FB2] =	sst s4  }
0xd: {  	[smem:$0x3FB3] =	sst s5  }
0xe: {  	[smem:$0x3FB4] =	sst s6  }
0xf: {  	[smem:$0x3FB5] =	sst s7  }
0x10: {  	[smem:$0x3FB6] =	sst s8  }
0x11: {  	[smem:$0x3FB7] =	sst s9;
	s0 =	simm.s32 @!p0 $0x0  }
0x12: {  	s1 =	sld [smem:$0x3F9D];
	s0 =	simm.s32 @p0 $0x1  }
0x13: {  	[smem:$0x3FB8] =	sst s0;
	s0 =	simm.s32 @!p1 $0x0  }
0x14: {  	s2 =	sld [smem:$0x3F9C];
	s0 =	simm.s32 @p1 $0x1  }
0x15: {  	[smem:$0x3FB9] =	sst s0;
	s0 =	simm.s32 @!p2 $0x0  }
0x16: {  	s3 =	sld [smem:$0x3FDB];
	s0 =	simm.s32 @p2 $0x1  }
0x17: {  	s4 =	simm.s32 $0x1BF5;
	[smem:$0x3FBB] =	sst s0  }
0x18: {  	s0 =	sld [smem:$0x3F9E];
	_ =	swait.ge [sflag:s4], $0x0  }
0x19: {  	s7 =	sld [smem:$0x3F9F]  }
0x1a: {  	s8 =	sadd.s32 $0xFFFFE003, lr  }
0x1b: {  	s9 =	sadd.s32 $0xFFFFFEF7, lr;
	s5 =	simm.s32 $0xFFFFFFFF;
	p2 =	slt.u32 s8, $0xFFFFF086  }
0x1c: {  	p1 =	slt.u32 s9, $0xF7A;
	s5 =	simm.s32 @!p2 $0x0  }
0x1d: {  	s5 =	simm.s32 @p1 $0x1;
	p0 =	seq.s32 s7, s2  }
0x1e: {  	s7 =	smul.u32 @!p0 $0xF7A, s2;
	p2 =	seq.s32 @!p0 s5, $0x0  }
0x1f: {  	s9 =	smul.u32 $0xF7A, s1;
	s8 =	simm.s32 @!p0 $0x1BF5;
	p2 =	por !p2, p0  }
0x20: {  	[sflag:s8] =	ssyncset.s32 @!p0 $0xFFFFF086;
	s6 =	sadd.s32 @!p0 s3, s7;
	s7 =	simm.s32 @!p0 $0x108  }
0x21: {  	s3 =	sadd.s32 s3, s9;
	s6 =	sadd.s32 @!p0 $0x88, s6;
	s7 =	simm.s32 @p2 $0x1082  }
0x22: {  	[simem:s7], [sflag:s8] =	dma.local @!p0 [hbm:s6], $0xF7A  }
0x23: {  	s9 =	sor.u32 $0xD0000000, s2;
	s6 =	simm.s32 $0x108;
	_ =	swait.ge @!p0 [sflag:s8], $0x0  }
0x24: {  	s3 =	sadd.s32 $0x88, s3;
	s6 =	simm.s32 @!p1 $0x1082;
	[sflag:s4] =	ssyncset.s32 $0xFFFFF086  }
0x25: {  	[simem:s6], [sflag:s4] =	dma.local [hbm:s3], $0xF7A  }
0x26: {  	[smem:$0x3F9F] =	sst s1;
	(tag) =	ssettag s2;
	_ =	strace s9  }
0x27: {  	s1 =	sld [smem:$0x3FAF]  }
0x28: {  	s2 =	sld [smem:$0x3FB0]  }
0x29: {  	s4 =	sld [smem:$0x3FB2]  }
0x2a: {  	p0 =	seq.s32 s5, $0x0;
	s5 =	sld [smem:$0x3FB3]  }
0x2b: {  	s6 =	sld [smem:$0x3FB4]  }
0x2c: {  	s7 =	sld [smem:$0x3FB5]  }
0x2d: {  	s3 =	simm.s32 $0x108;
	s8 =	sld [smem:$0x3FB6]  }
0x2e: {  	s3 =	simm.s32 @!p0 $0x1082;
	s9 =	sld [smem:$0x3FB7]  }
0x2f: {  	lr =	sadd.s32 s0, s3;
	s0 =	sld [smem:$0x3FAE]  }
0x30: {  	s3 =	sld [smem:$0x3FB1]  }
0x31: {  	[smem:$0x3FBA] =	sst s10  }
0x32: {  	s10 =	sld [smem:$0x3FB8];
	_ =	sdelay $0x3  }
0x33: {  	p0 =	seq.s32 s10, $0x1;
	s10 =	sld [smem:$0x3FBA];
	_ =	sdelay $0x3  }
0x34: {  	[smem:$0x3FBA] =	sst s10  }
0x35: {  	s10 =	sld [smem:$0x3FB9];
	_ =	sdelay $0x3  }
0x36: {  	p1 =	seq.s32 s10, $0x1;
	s10 =	sld [smem:$0x3FBA];
	_ =	sdelay $0x3  }
0x37: {  	[smem:$0x3FBA] =	sst s10  }
0x38: {  	s10 =	sld [smem:$0x3FBB]  }
0x39: {  	_ = 	snop;
	(pc) =	sbr.ind lr, $3  }
0x3a: {  	_ = 	snop  }
0x3b: {  	_ = 	snop  }
0x3c: {  	p2 =	seq.s32 s10, $0x1;
	s10 =	sld [smem:$0x3FBA]  }
0x3d: {  	_ =	shalt  }
0x3e: {  	_ =	shalt  }
0x3f: {  	_ =	shalt  }
0x40: {  	_ =	shalt  }
0x41: {  	_ =	shalt  }
0x42: {  	_ =	shalt  }
0x43: {  	_ =	shalt  }
0x44: {  	_ =	shalt  }
0x45: {  	_ =	shalt  }
0x46: {  	_ =	shalt  }
0x47: {  	_ =	shalt  }
0x48: {  	_ =	shalt  }
0x49: {  	_ =	shalt  }
0x4a: {  	_ =	shalt  }
0x4b: {  	_ =	shalt  }
0x4c: {  	_ =	shalt  }
0x4d: {  	_ =	shalt  }
0x4e: {  	_ =	shalt  }
0x4f: {  	_ =	shalt  }
0x50: {  	_ =	shalt  }
0x51: {  	_ =	shalt  }
0x52: {  	_ =	shalt  }
0x53: {  	_ =	shalt  }
0x54: {  	_ =	shalt  }
0x55: {  	_ =	shalt  }
0x56: {  	_ =	shalt  }
0x57: {  	_ =	shalt  }
0x58: {  	_ =	shalt  }
0x59: {  	_ =	shalt  }
0x5a: {  	_ =	shalt  }
0x5b: {  	_ =	shalt  }
0x5c: {  	_ =	shalt  }
0x5d: {  	_ =	shalt  }
0x5e: {  	_ =	shalt  }
0x5f: {  	_ =	shalt  }
0x60: {  	_ =	shalt  }
0x61: {  	_ =	shalt  }
0x62: {  	_ =	shalt  }
0x63: {  	_ =	shalt  }
0x64: {  	_ =	shalt  }
0x65: {  	_ =	shalt  }
0x66: {  	_ =	shalt  }
0x67: {  	_ =	shalt  }
0x68: {  	_ =	shalt  }
0x69: {  	_ =	shalt  }
0x6a: {  	_ =	shalt  }
0x6b: {  	_ =	shalt  }
0x6c: {  	_ =	shalt  }
0x6d: {  	_ =	shalt  }
0x6e: {  	_ =	shalt  }
0x6f: {  	_ =	shalt  }
0x70: {  	_ =	shalt  }
0x71: {  	_ =	shalt  }
0x72: {  	_ =	shalt  }
0x73: {  	_ =	shalt  }
0x74: {  	_ =	shalt  }
0x75: {  	_ =	shalt  }
0x76: {  	_ =	shalt  }
0x77: {  	_ =	shalt  }
0x78: {  	_ =	shalt  }
0x79: {  	_ =	shalt  }
0x7a: {  	_ =	shalt  }
0x7b: {  	_ =	shalt  }
0x7c: {  	_ =	shalt  }
0x7d: {  	_ =	shalt  }
0x7e: {  	_ =	shalt  }
0x7f: {  	_ =	shalt  }
0x80: {  	_ =	shalt  }
0x81: {  	_ =	shalt  }
0x82: {  	_ =	shalt  }
0x83: {  	_ =	shalt  }
0x84: {  	_ =	shalt  }
0x85: {  	_ =	shalt  }
0x86: {  	_ =	shalt  }
0x87: {  	_ =	shalt  }
.Lfunc_end0:
.L_simem_size_0:
called_computation_lowered:
.L_overlay_start_0:
0x88: {  	s2 =	sld [smem:$0x3FD9]  }
0x89: {  	s3 =	sld [smem:$0x3FFE];
	_ =	sdelay $0x1  }
0x8a: {  	s1 =	srdreg.scid  }
0x8b: {  	s0 =	sand.u32 $0x1, s1  }
0x8c: {  	s14 =	sshll.u32 s0, $0xA;
	s2 =	sadd.s32 s3, s2  }
0x8d: {  	s2 =	sadd.s32 s2, s14  }
0x8e: {  	[smem:$0x3FC6] =	sst s2  }
0x8f: {  	_ = 	snop  }
0x90: {  	s2 =	sld [smem:$0x3FD0];
	_ =	sdelay $0x2  }
0x91: {  	s15 =	simm.s32 $0xA;
	s4 =	simm.s32 $0x10  }
0x92: {  	[smem:s4], [sflag:s15] =	dma.local [hbm:s2], $0x1  }
0x93: {  	_ =	swait.eq [sflag:s15], $0x1  }
0x94: {  	[sflag:s15] =	ssyncset.done $0x0  }
0x95: {  	[sflag:s15] =	ssyncadd.s32 $0xFFFFFFFF  }
0x96: {  	s16 =	sld [smem:$0x11];
	(tm) =	ssettm $0x1  }
0x97: {  	s17 =	sld [smem:$0x3FFB];
	_ =	sdelay $0x3  }
0x98: {  	_ =	strace s17  }
0x99: {  	s3 =	sld [smem:$0x3FFC];
	_ =	sdelay $0x3  }
0x9a: {  	_ =	strace s3  }
0x9b: {  	s3 =	sld [smem:$0x3FFD];
	_ =	sdelay $0x3  }
0x9c: {  	_ =	strace s3  }
0x9d: {  	_ =	strace $0x8FFFFFFF  }
0x9e: {  	s18 =	sld [smem:$0x3FDB];
	_ =	sdelay $0x1  }
0x9f: {  	s19 =	simm.s32 $_scs_section_size  }
0xa0: {  	s5 =	simm.s32 $_size__tile_overlayer_lowered;
	s6 =	simm.s32 $_tile_overlayer_lowered  }
0xa1: {  	s22 =	simm.s32 $0x1BFF;
	s21 =	sshll.u32 s6, $0x1;
	s3 =	sadd.s32 s19, s18  }
0xa2: {  	s7 =	simm.s32 $0x0;
	s20 =	sshll.u32 s5, $0x1;
	s5 =	sadd.s32 s21, s3  }
0xa3: {  	[timem:s7], [sflag:s22] =	dma.local [hbm:s5], s20  }
0xa4: {  	_ =	swait.ge [sflag:s22], s20  }
0xa5: {  	s4 =	ssub.s32 $0x0, s20;
	[sflag:s22] =	ssyncset.done $0x0  }
0xa6: {  	[sflag:s22] =	ssyncadd.s32 s4;
	_ =	sdelay $0x1  }
0xa7: {  	s23 =	simm.s32 $0x1B8B  }
0xa8: {  	_ =	swait.ge [sflag:s23], $0x1  }
0xa9: {  	[sflag:s23] =	ssyncset.done $0x0  }
0xaa: {  	s25 =	simm.s32 $0x1B8E;
	s24 =	sld [smem:$0x3FFE];
	[sflag:s23] =	ssyncadd.s32 $0xFFFFFFFF  }
0xab: {  	s26 =	simm.s32 $execute0_lowered;
	[smem:$0x3FD2] =	sst s25  }
0xac: {  	s5 =	sshll.u32 s26, $0x1;
	_ =	strace $0x80000046;
	[dreg:$0x1] =	wrdreg $0xFFFFFFFF  }
0xad: {  	s28 =	simm.s32 $_size_execute0_lowered;
	s3 =	sadd.s32 s3, s5;
	[dreg:$0x0] =	wrdreg $0x0  }
0xae: {  	s5 =	sshll.u32 s28, $0x1;
	[dreg:$0x2] =	wrdreg s3  }
0xaf: {  	[dreg:$0x3] =	wrdreg s5  }
0xb0: {  	[dreg:$0x4] =	wrdreg $0xC0  }
0xb1: {  	_ =	task [dreg:s7], $0x5FFFF  }
0xb2: {  	[dreg:$0x1] =	wrdreg $0xFFFFFFFF  }
0xb3: {  	[dreg:$0x0] =	wrdreg $0x60  }
0xb4: {  	[dreg:$0x2] =	wrdreg s24  }
0xb5: {  	[dreg:$0x3] =	wrdreg s16  }
0xb6: {  	[dreg:$0x4] =	wrdreg $0x9  }
0xb7: {  	_ =	task.clear_ibuf [dreg:s7], $0x5FFFF;
	_ =	strace $0x90000046  }
0xb8: {  	s29 =	simm.s32 $0x9;
	_ =	strace $0x80000048  }
0xb9: {  	_ =	swait.ge [sflag:s29], $0x1  }
0xba: {  	[sflag:s29] =	ssyncadd.s32 $0xFFFFFFFF  }
0xbb: {  	_ =	strace $0x90000048  }
0xbc: {  	_ =	sfence  }
0xbd: {  	s30 =	sld [smem:$0x0];
	_ =	sdelay $0x2  }
0xbe: {  	s31 =	sshll.u32 s1, $0xD;
	s1 =	sshrl.u32 s1, $0x2  }
0xbf: {  	s3 =	sand.u32 $0x4000, s31;
	s1 =	sadd.s32 s1, s30  }
0xc0: {  	s0 =	sor.u32 s3, s0;
	s1 =	sshll.u32 s1, $0x11  }
0xc1: {  	s0 =	sor.u32 s1, s0  }
0xc2: {  	s0 =	sadd.s32 $0x8F2B, s0  }
0xc3: {  	[sflag:s0] =	ssyncadd.remote.s32 $0x1  }
0xc4: {  	_ =	sfence.sel $0xFFFF  }
0xc5: {  	[dreg:$0x0] =	wrdreg $0xFFFFFFFF;
	(pc) =	sbr.abs _section_cstart, $3  }
0xc6: {  	[dreg:$0x1] =	wrdreg $0xFFFFFFFF  }
0xc7: {  	_ =	task.clear_ibuf [dreg:s7], $0x2FFFF;
	_ =	strace $0x9FFFFFFF  }
0xc8: {  	(tm) =	ssettm $0x7FFFFFFF  }
0xc9: {  	_ =	shalt  }
tec
execute0_lowered:
.L_overlay_start_1:
0x0: {  	(tag) =	ssettag $0x1  }
0x1: {  	s1 =	srdreg.scid;
	s0 =	stileid.u32  }
0x2: {  	s25 =	sand.u32 $0x1, s1;
	s31 =	sshll.u32 s0, $0x1  }
0x3: {  	s5 =	rddreg [dreg:$0x0];
	s26 =	sor.u32 s25, s31  }
0x4: {  	s24 =	rddreg [dreg:$0x1];
	s3 =	smul.u32 $0x90, s26  }
0x5: {  	s2 =	simm.s32 $0x0;
	s1 =	rddreg [dreg:$0x2]  }
0x6: {  	[smem:$0x7FF] =	sst s2;
	s3 =	sadd.s32 s3, s5  }
0x7: {  	_ =	strace $0x80000047;
	s4 =	sadd.s32 $0x2200, s3;
	s3 =	simm.s32 $0x2  }
0x8: {  	[tilespmem:s2], [sflag:$0x2] =	stream.linear.gather [hbm4b:s4+s2], $0x480, $0x38;
	[tilespmem:$0x12480] =	vst v63  }
0x9: {  	_ =	swait.ge [sflag:s3], $0x480  }
0xa: {  	s6 =	simm.s32 $0x80;
	[sflag:s3] =	ssyncset.done $0x0  }
0xb: {  	s7 =	simm.s32 $0x480;
	s5 =	sadd.s32 $0x200, s5;
	[sflag:s3] =	ssyncadd.s32 $0xFFFFFB80  }
0xc: {  	[tilespmem:s7], [sflag:$0x1] =	stream.indirect.gather [hbm4b:s5+s6], $0x40, s2, s6, $0xb8;
	[tilespmem:$0x12480] =	vst v63  }
0xd: {  	s8 =	simm.s32 $0x2480  }
0xe: {  	[tilespmem:s8], [sflag:$0x1] =	stream.indirect.gather [hbm4b:s5+s6], $0x40, s6, s6, $0xb8;
	[tilespmem:$0x12480] =	vst v63  }
0xf: {  	s9 =	simm.s32 $0x100;
	s10 =	simm.s32 $0x4480  }
0x10: {  	[tilespmem:s10], [sflag:$0x1] =	stream.indirect.gather [hbm4b:s5+s6], $0x40, s9, s6, $0xb8;
	[tilespmem:$0x12480] =	vst v63  }
0x11: {  	s11 =	simm.s32 $0x180;
	s12 =	simm.s32 $0x6480  }
0x12: {  	[tilespmem:s12], [sflag:$0x1] =	stream.indirect.gather [hbm4b:s5+s6], $0x40, s11, s6, $0xb8;
	[tilespmem:$0x12480] =	vst v63  }
0x13: {  	s13 =	simm.s32 $0x200;
	s14 =	simm.s32 $0x8480  }
0x14: {  	[tilespmem:s14], [sflag:$0x1] =	stream.indirect.gather [hbm4b:s5+s6], $0x40, s13, s6, $0xb8;
	[tilespmem:$0x12480] =	vst v63  }
0x15: {  	s15 =	simm.s32 $0x280;
	s16 =	simm.s32 $0xA480  }
0x16: {  	[tilespmem:s16], [sflag:$0x1] =	stream.indirect.gather [hbm4b:s5+s6], $0x40, s15, s6, $0xb8;
	[tilespmem:$0x12480] =	vst v63  }
0x17: {  	s17 =	simm.s32 $0x300;
	s18 =	simm.s32 $0xC480  }
0x18: {  	[tilespmem:s18], [sflag:$0x1] =	stream.indirect.gather [hbm4b:s5+s6], $0x40, s17, s6, $0xb8;
	[tilespmem:$0x12480] =	vst v63  }
0x19: {  	s19 =	simm.s32 $0x380;
	s20 =	simm.s32 $0xE480  }
0x1a: {  	[tilespmem:s20], [sflag:$0x1] =	stream.indirect.gather [hbm4b:s5+s6], $0x40, s19, s6, $0xb8;
	[tilespmem:$0x12480] =	vst v63  }
0x1b: {  	s21 =	simm.s32 $0x400;
	s22 =	simm.s32 $0x10480;
	s23 =	simm.s32 $0x1  }
0x1c: {  	[tilespmem:s22], [sflag:$0x1] =	stream.indirect.gather [hbm4b:s5+s6], $0x40, s21, s6, $0xb8;
	[tilespmem:$0x12480] =	vst v63  }
0x1d: {  	_ =	swait.ge [sflag:s23], $0x2000  }
0x1e: {  	[sflag:s23] =	ssyncset.done $0x0  }
0x1f: {  	[sflag:s23] =	ssyncadd.s32 $0xFFFFE000  }
0x20: {  	_ =	swait.ge [sflag:s23], $0x2000  }
0x21: {  	[sflag:s23] =	ssyncset.done $0x0  }
0x22: {  	[sflag:s23] =	ssyncadd.s32 $0xFFFFE000  }
0x23: {  	_ =	swait.ge [sflag:s23], $0x2000  }
0x24: {  	[sflag:s23] =	ssyncset.done $0x0  }
0x25: {  	[sflag:s23] =	ssyncadd.s32 $0xFFFFE000  }
0x26: {  	_ =	swait.ge [sflag:s23], $0x2000  }
0x27: {  	[sflag:s23] =	ssyncset.done $0x0  }
0x28: {  	[sflag:s23] =	ssyncadd.s32 $0xFFFFE000  }
0x29: {  	_ =	swait.ge [sflag:s23], $0x2000  }
0x2a: {  	[sflag:s23] =	ssyncset.done $0x0  }
0x2b: {  	[sflag:s23] =	ssyncadd.s32 $0xFFFFE000  }
0x2c: {  	_ =	swait.ge [sflag:s23], $0x2000  }
0x2d: {  	[sflag:s23] =	ssyncset.done $0x0  }
0x2e: {  	[sflag:s23] =	ssyncadd.s32 $0xFFFFE000  }
0x2f: {  	_ =	swait.ge [sflag:s23], $0x2000  }
0x30: {  	[sflag:s23] =	ssyncset.done $0x0  }
0x31: {  	s25 =	ssub.s32 $0x2, s25;
	[sflag:s23] =	ssyncadd.s32 $0xFFFFE000  }
0x32: {  	s28 =	sshrl.u32 s25, $0x1;
	_ =	swait.ge [sflag:s23], $0x2000  }
0x33: {  	s25 =	ssub.s32 s25, s28;
	[sflag:s23] =	ssyncset.done $0x0  }
0x34: {  	s25 =	smax.u32 s25, $0x1;
	[sflag:s23] =	ssyncadd.s32 $0xFFFFE000  }
0x35: {  	s26 =	smul.u32 $0x2400, s26;
	p0 =	sne.s32 s25, $0x1;
	_ =	swait.ge [sflag:s23], $0x2000  }
.Ltmp0:
0x36: {  	[sflag:s23] =	ssyncset.done $0x0;
	(pc) =	sbr.rel @!p0 .LBB2_2-.Ltmp0, $4  }
0x37: {  	s24 =	sadd.s32 s24, s26;
	[sflag:s23] =	ssyncadd.s32 $0xFFFFE000  }
0x38: {  	[hbm4b:s24+s2] =	stream.linear.scatter [tilespmem:s7], [sflag:$0x2], $0x12000, $0x38;
	[tilespmem:$0x12480] =	vst v63  }
0x39: {  	_ =	swait.ge [sflag:s3], $0x12000  }
0x3a: {  	s25 =	sadd.s32 $0xFFFFFFFF, s25;
	[sflag:s3] =	ssyncset.done $0x0  }
.LBB2_1:
0x3b: {  	p0 =	sne.s32 s25, $0x1;
	s25 =	sadd.s32 $0xFFFFFFFF, s25;
	[sflag:s3] =	ssyncadd.s32 $0xFFFEE000  }
0x3c: {  	[tilespmem:s2], [sflag:$0x2] =	stream.linear.gather [hbm4b:s4+s2], $0x480, $0x38;
	[tilespmem:$0x12480] =	vst v63  }
0x3d: {  	_ =	swait.ge [sflag:s3], $0x480  }
0x3e: {  	[sflag:s3] =	ssyncset.done $0x0  }
0x3f: {  	[sflag:s3] =	ssyncadd.s32 $0xFFFFFB80  }
0x40: {  	[tilespmem:s7], [sflag:$0x1] =	stream.indirect.gather [hbm4b:s5+s6], $0x40, s2, s6, $0xb8;
	[tilespmem:$0x12480] =	vst v63  }
0x41: {  	_ = 	snop  }
0x42: {  	[tilespmem:s8], [sflag:$0x1] =	stream.indirect.gather [hbm4b:s5+s6], $0x40, s6, s6, $0xb8;
	[tilespmem:$0x12480] =	vst v63  }
0x43: {  	_ = 	snop  }
0x44: {  	[tilespmem:s10], [sflag:$0x1] =	stream.indirect.gather [hbm4b:s5+s6], $0x40, s9, s6, $0xb8;
	[tilespmem:$0x12480] =	vst v63  }
0x45: {  	_ = 	snop  }
0x46: {  	[tilespmem:s12], [sflag:$0x1] =	stream.indirect.gather [hbm4b:s5+s6], $0x40, s11, s6, $0xb8;
	[tilespmem:$0x12480] =	vst v63  }
0x47: {  	_ = 	snop  }
0x48: {  	[tilespmem:s14], [sflag:$0x1] =	stream.indirect.gather [hbm4b:s5+s6], $0x40, s13, s6, $0xb8;
	[tilespmem:$0x12480] =	vst v63  }
0x49: {  	_ = 	snop  }
0x4a: {  	[tilespmem:s16], [sflag:$0x1] =	stream.indirect.gather [hbm4b:s5+s6], $0x40, s15, s6, $0xb8;
	[tilespmem:$0x12480] =	vst v63  }
0x4b: {  	_ = 	snop  }
0x4c: {  	[tilespmem:s18], [sflag:$0x1] =	stream.indirect.gather [hbm4b:s5+s6], $0x40, s17, s6, $0xb8;
	[tilespmem:$0x12480] =	vst v63  }
0x4d: {  	_ = 	snop  }
0x4e: {  	[tilespmem:s20], [sflag:$0x1] =	stream.indirect.gather [hbm4b:s5+s6], $0x40, s19, s6, $0xb8;
	[tilespmem:$0x12480] =	vst v63  }
0x4f: {  	_ = 	snop  }
0x50: {  	[tilespmem:s22], [sflag:$0x1] =	stream.indirect.gather [hbm4b:s5+s6], $0x40, s21, s6, $0xb8;
	[tilespmem:$0x12480] =	vst v63  }
0x51: {  	_ =	swait.ge [sflag:s23], $0x2000  }
0x52: {  	[sflag:s23] =	ssyncset.done $0x0  }
0x53: {  	[sflag:s23] =	ssyncadd.s32 $0xFFFFE000  }
0x54: {  	_ =	swait.ge [sflag:s23], $0x2000  }
0x55: {  	[sflag:s23] =	ssyncset.done $0x0  }
0x56: {  	[sflag:s23] =	ssyncadd.s32 $0xFFFFE000  }
0x57: {  	_ =	swait.ge [sflag:s23], $0x2000  }
0x58: {  	[sflag:s23] =	ssyncset.done $0x0  }
0x59: {  	[sflag:s23] =	ssyncadd.s32 $0xFFFFE000  }
0x5a: {  	_ =	swait.ge [sflag:s23], $0x2000  }
0x5b: {  	[sflag:s23] =	ssyncset.done $0x0  }
0x5c: {  	[sflag:s23] =	ssyncadd.s32 $0xFFFFE000  }
0x5d: {  	_ =	swait.ge [sflag:s23], $0x2000  }
0x5e: {  	[sflag:s23] =	ssyncset.done $0x0  }
0x5f: {  	[sflag:s23] =	ssyncadd.s32 $0xFFFFE000  }
0x60: {  	_ =	swait.ge [sflag:s23], $0x2000  }
0x61: {  	[sflag:s23] =	ssyncset.done $0x0  }
0x62: {  	[sflag:s23] =	ssyncadd.s32 $0xFFFFE000  }
0x63: {  	_ =	swait.ge [sflag:s23], $0x2000  }
0x64: {  	[sflag:s23] =	ssyncset.done $0x0  }
0x65: {  	[sflag:s23] =	ssyncadd.s32 $0xFFFFE000  }
0x66: {  	_ =	swait.ge [sflag:s23], $0x2000  }
0x67: {  	[sflag:s23] =	ssyncset.done $0x0  }
0x68: {  	[sflag:s23] =	ssyncadd.s32 $0xFFFFE000  }
0x69: {  	_ =	swait.ge [sflag:s23], $0x2000  }
.Ltmp1:
0x6a: {  	[sflag:s23] =	ssyncset.done $0x0;
	(pc) =	sbr.rel @p0 .LBB2_1-.Ltmp1, $4  }
0x6b: {  	[sflag:s23] =	ssyncadd.s32 $0xFFFFE000  }
0x6c: {  	[hbm4b:s24+s2] =	stream.linear.scatter [tilespmem:s7], [sflag:$0x2], $0x12000, $0x38;
	[tilespmem:$0x12480] =	vst v63  }
0x6d: {  	_ =	swait.ge [sflag:s3], $0x12000  }
0x6e: {  	[sflag:s3] =	ssyncset.done $0x0  }
.LBB2_2:
0x6f: {  	[sflag:s3] =	ssyncadd.s32 $0xFFFEE000  }
0x70: {  	_ =	sfence.sel $0x180000  }
0x71: {  	[bflag:$0x0] =	sbarrier.arrive $0xFFFF  }
0x72: {  	p0 =	sne.s32 s0, $0x0;
	_ =	strace $0x90000047  }
0x73: {  	s0 =	sadd.s32 @!p0 $0x100000, s1;
	[bflag:$0x2] =	sbarrier.arrive $0xFFFF  }
0x74: {  	[sflag:s0] =	ssyncadd.tile.s32 @!p0 $0x1;
	_ =	shalt  }
.Lfunc_end2:
_tile_overlayer_lowered:
.L_overlay_start_2:
0x75: {  	(tag) =	ssettag $0x2  }
0x76: {  	s0 =	rddreg [dreg:$0x0];
	s2 =	stileid.u32  }
0x77: {  	s1 =	rddreg [dreg:$0x1];
	p0 =	sne.s32 s2, $0x0  }
0x78: {  	s3 =	rddreg [dreg:$0x2];
	[bflag:$0x3] =	sbarrier.arrive $0xFFFF;
	s2 =	simm.s32 @!p0 $0x1C02  }
0x79: {  	[timem:s3], [sflag:s2] =	dma.local @!p0 [hbm:s0], s1  }
0x7a: {  	s0 =	simm.s32 @!p0 $0x2  }
0x7b: {  	_ =	swait.ge @!p0 [sflag:s0], s1  }
0x7c: {  	s1 =	ssub.s32 @!p0 $0x0, s1;
	[sflag:s0] =	ssyncset.done @!p0 $0x0  }
0x7d: {  	[sflag:s0] =	ssyncadd.s32 @!p0 s1  }
0x7e: {  	[bflag:$0x3] =	sbarrier.arrive $0xFFFF  }
0x7f: {  	_ =	shalt  }

</sc_bundles>
